<compile_context>
chip_gen: v7x
topology: tpu7x:2x2x1
jax: 0.10.2.dev20260603
libtpu: 0.0.44.dev20260713+nightly
codegen_flags: <defaults>
</compile_context>

<pallas_src>
import functools

import jax
import jax.numpy as jnp
from jax import lax
from jax.experimental import pallas as pl
from jax.experimental.pallas import tpu as pltpu
from jax.experimental.pallas import tpu_sc as plsc

G_BLK = 256


def _add_body(x_ref, tt_ref, o_ref):
    o_ref[...] = x_ref[...] + tt_ref[...][:, None, :]


def _tc_broadcast_add(xg, time_table, rows):
    n, group, d = xg.shape
    blocks_per_cycle = rows // G_BLK
    return pl.pallas_call(
        _add_body,
        grid=(n // G_BLK,),
        in_specs=[
            pl.BlockSpec((G_BLK, group, d), lambda i: (i, 0, 0)),
            pl.BlockSpec((G_BLK, d), lambda i: (i % blocks_per_cycle, 0)),
        ],
        out_specs=pl.BlockSpec((G_BLK, group, d), lambda i: (i, 0, 0)),
        out_shape=jax.ShapeDtypeStruct((n, group, d), jnp.float32),
    )(xg, time_table)


def _sc_gather(table, n_rows, d, period):
    info = plsc.get_sparse_core_info()
    nw = info.num_cores * info.num_subcores
    rows_per_w = n_rows // nw
    mesh = plsc.VectorSubcoreMesh(core_axis_name="c", subcore_axis_name="s")

    @functools.partial(
        pl.kernel,
        mesh=mesh,
        out_type=jax.ShapeDtypeStruct((n_rows, d), jnp.float32),
        scratch_types=[
            pltpu.VMEM((rows_per_w,), jnp.int32),
            pltpu.VMEM((rows_per_w, d), jnp.float32),
            pltpu.SemaphoreType.DMA,
        ],
    )
    def k(table_hbm, out_hbm, idx_v, rows_v, sem):
        wid = lax.axis_index("s") * info.num_cores + lax.axis_index("c")
        base = wid * rows_per_w
        for j in range(rows_per_w // 16):
            idx_v[pl.ds(j * 16, 16)] = (
                lax.iota(jnp.int32, 16) + (base + j * 16) % period
            )
        pltpu.async_copy(table_hbm.at[idx_v], rows_v, sem).wait()
        pltpu.sync_copy(rows_v, out_hbm.at[pl.ds(base, rows_per_w)])

    return k(table)


def kernel(x, time_table, channel_table):
    b, c, t, d = x.shape
    group = c
    rows = (c * t) // group
    out2 = _sc_gather(channel_table, c * c, d, c)
    xg = x.reshape(b * rows, group, d)
    out1 = _tc_broadcast_add(xg, time_table, rows).reshape(b, c * t, d)
    return out1, out2

# --- scband reference (transcript-rebuilt; emitter-appended) ---
"""Pipeline reference for scband-auxiliary-eegencoding-71322226917664 (READ-ONLY COPY).

The authoritative reference and input builder live on the scoring server;
editing this copy changes nothing except your own understanding.
"""

import jax, jax.numpy as jnp
import numpy as np

B, C, T, D = 8, 64, 1024, 128
MAX_T, MAX_C = 4096, 128

def setup_inputs(seed: int = 0) -> dict:
    key = jax.random.key(seed)
    k1, k2, k3 = jax.random.split(key, 3)
    x = jax.random.normal(k1, (B, C, T, D), dtype=jnp.float32)
    time_table = jax.random.normal(k2, (MAX_T, D), dtype=jnp.float32) * 0.02
    channel_table = jax.random.normal(k3, (MAX_C, D), dtype=jnp.float32) * 0.02
    return {"x": x, "time_table": time_table, "channel_table": channel_table}

def reference(x, time_table, channel_table):
    b, c, t, d = x.shape
    # rearrange 'b c T D -> b (c T) D'
    x_flat = x.reshape(b, c * t, d)
    # time_ids = arange(T).repeat_interleave(c)  -> length T*c
    time_ids = jnp.repeat(jnp.arange(t), c)
    # channel_ids = arange(c).repeat(c)  -> torch .repeat tiles -> length c*c
    channel_ids = jnp.tile(jnp.arange(c), c)
    out1 = x_flat + jnp.take(time_table, time_ids, axis=0)
    out2 = jnp.take(channel_table, channel_ids, axis=0)
    return (out1, out2)

if __name__ == "__main__":
    import jax
    _d = setup_inputs()
    print(jax.jit(kernel)(*tuple(_d.values())))

</pallas_src>

<mosaic_0001>
#map = affine_map<(d0, d1) -> (0, 0)>
module attributes {stable_mosaic.version = 14 : i64} {
  func.func @k(%arg0: i32, %arg1: i32, %arg2: memref<128x128xf32, #tpu.memory_space<hbm>>, %arg3: memref<4096x128xf32, #tpu.memory_space<hbm>>, %arg4: memref<128xi32, #tpu.memory_space<vmem>>, %arg5: memref<128x128xf32, #tpu.memory_space<vmem>>, %arg6: memref<!tpu.dma_semaphore, #tpu.memory_space<semaphore_mem>>) attributes {dimension_semantics = [#tpu.dimension_semantics<core_parallel>, #tpu.dimension_semantics<subcore_parallel>], iteration_bounds = array<i64: 2, 16>, scalar_prefetch = 0 : i64, scratch_operands = 3 : i64, tpu.core_type = #tpu.core_type<sc_vector_subcore>, window_params = [{transform_indices = #map}, {transform_indices = #map}]} {
    %mul3A = arith.constant 2 : i32
    %mul3A_0 = arith.muli %arg1, %mul3A : i32
    %add3A = arith.addi %mul3A_0, %arg0 : i32
    %mul3A_1 = arith.constant 128 : i32
    %mul3A_2 = arith.muli %add3A, %mul3A_1 : i32
    %iota3A = tpu.iota {dimensions = array<i32: 0>} : vector<16xi32>
    %add3A_3 = arith.constant 0 : i32
    %add3A_4 = arith.addi %mul3A_2, %add3A_3 : i32
    %jit3A = arith.constant 64 : i32
    %eq3A = arith.constant 0 : i32
    %eq3A_5 = arith.cmpi eq, %jit3A, %eq3A : i32
    %jit3A_6 = arith.constant 1 : i32
    %select_n3A = arith.select %eq3A_5, %jit3A_6, %jit3A : i32
    %rem3A = arith.remsi %add3A_4, %select_n3A : i32
    %ne3A = arith.constant 0 : i32
    %ne3A_7 = arith.cmpi ne, %rem3A, %ne3A : i32
    %lt3A = arith.constant 0 : i32
    %lt3A_8 = arith.cmpi slt, %rem3A, %lt3A : i32
    %lt3A_9 = arith.constant 0 : i32
    %lt3A_10 = arith.cmpi slt, %select_n3A, %lt3A_9 : i32
    %ne3A_11 = arith.xori %lt3A_8, %lt3A_10 : i1
    %and3A = arith.andi %ne3A_11, %ne3A_7 : i1
    %add3A_12 = arith.addi %rem3A, %select_n3A : i32
    %select_n3A_13 = arith.select %and3A, %add3A_12, %rem3A : i32
    %add3A_14 = vector.broadcast %select_n3A_13 : i32 to vector<16xi32>
    %add3A_15 = arith.addi %iota3A, %add3A_14 : vector<16xi32>
    %swap3A = arith.constant 0 : index
    %swap3A_16 = tpu.vector_load %arg4[%swap3A] {strides = array<i32>} : memref<128xi32, #tpu.memory_space<vmem>>, vector<16xi32>,
    %swap3A_17 = vector.shape_cast %swap3A_16 : vector<16xi32> to vector<16xi32>
    %swap3A_18 = vector.shape_cast %add3A_15 : vector<16xi32> to vector<16xi32>
    tpu.vector_store %arg4[%swap3A], %swap3A_18 {strides = array<i32>} : memref<128xi32, #tpu.memory_space<vmem>>, vector<16xi32>,
    %iota3A_19 = tpu.iota {dimensions = array<i32: 0>} : vector<16xi32>
    %add3A_20 = arith.constant 16 : i32
    %add3A_21 = arith.addi %mul3A_2, %add3A_20 : i32
    %jit3A_22 = arith.constant 64 : i32
    %eq3A_23 = arith.constant 0 : i32
    %eq3A_24 = arith.cmpi eq, %jit3A_22, %eq3A_23 : i32
    %jit3A_25 = arith.constant 1 : i32
    %select_n3A_26 = arith.select %eq3A_24, %jit3A_25, %jit3A_22 : i32
    %rem3A_27 = arith.remsi %add3A_21, %select_n3A_26 : i32
    %ne3A_28 = arith.constant 0 : i32
    %ne3A_29 = arith.cmpi ne, %rem3A_27, %ne3A_28 : i32
    %lt3A_30 = arith.constant 0 : i32
    %lt3A_31 = arith.cmpi slt, %rem3A_27, %lt3A_30 : i32
    %lt3A_32 = arith.constant 0 : i32
    %lt3A_33 = arith.cmpi slt, %select_n3A_26, %lt3A_32 : i32
    %ne3A_34 = arith.xori %lt3A_31, %lt3A_33 : i1
    %and3A_35 = arith.andi %ne3A_34, %ne3A_29 : i1
    %add3A_36 = arith.addi %rem3A_27, %select_n3A_26 : i32
    %select_n3A_37 = arith.select %and3A_35, %add3A_36, %rem3A_27 : i32
    %add3A_38 = vector.broadcast %select_n3A_37 : i32 to vector<16xi32>
    %add3A_39 = arith.addi %iota3A_19, %add3A_38 : vector<16xi32>
    %swap3A_40 = arith.constant 16 : index
    %swap3A_41 = tpu.vector_load %arg4[%swap3A_40] {strides = array<i32>} : memref<128xi32, #tpu.memory_space<vmem>>, vector<16xi32>,
    %swap3A_42 = vector.shape_cast %swap3A_41 : vector<16xi32> to vector<16xi32>
    %swap3A_43 = vector.shape_cast %add3A_39 : vector<16xi32> to vector<16xi32>
    tpu.vector_store %arg4[%swap3A_40], %swap3A_43 {strides = array<i32>} : memref<128xi32, #tpu.memory_space<vmem>>, vector<16xi32>,
    %iota3A_44 = tpu.iota {dimensions = array<i32: 0>} : vector<16xi32>
    %add3A_45 = arith.constant 32 : i32
    %add3A_46 = arith.addi %mul3A_2, %add3A_45 : i32
    %jit3A_47 = arith.constant 64 : i32
    %eq3A_48 = arith.constant 0 : i32
    %eq3A_49 = arith.cmpi eq, %jit3A_47, %eq3A_48 : i32
    %jit3A_50 = arith.constant 1 : i32
    %select_n3A_51 = arith.select %eq3A_49, %jit3A_50, %jit3A_47 : i32
    %rem3A_52 = arith.remsi %add3A_46, %select_n3A_51 : i32
    %ne3A_53 = arith.constant 0 : i32
    %ne3A_54 = arith.cmpi ne, %rem3A_52, %ne3A_53 : i32
    %lt3A_55 = arith.constant 0 : i32
    %lt3A_56 = arith.cmpi slt, %rem3A_52, %lt3A_55 : i32
    %lt3A_57 = arith.constant 0 : i32
    %lt3A_58 = arith.cmpi slt, %select_n3A_51, %lt3A_57 : i32
    %ne3A_59 = arith.xori %lt3A_56, %lt3A_58 : i1
    %and3A_60 = arith.andi %ne3A_59, %ne3A_54 : i1
    %add3A_61 = arith.addi %rem3A_52, %select_n3A_51 : i32
    %select_n3A_62 = arith.select %and3A_60, %add3A_61, %rem3A_52 : i32
    %add3A_63 = vector.broadcast %select_n3A_62 : i32 to vector<16xi32>
    %add3A_64 = arith.addi %iota3A_44, %add3A_63 : vector<16xi32>
    %swap3A_65 = arith.constant 32 : index
    %swap3A_66 = tpu.vector_load %arg4[%swap3A_65] {strides = array<i32>} : memref<128xi32, #tpu.memory_space<vmem>>, vector<16xi32>,
    %swap3A_67 = vector.shape_cast %swap3A_66 : vector<16xi32> to vector<16xi32>
    %swap3A_68 = vector.shape_cast %add3A_64 : vector<16xi32> to vector<16xi32>
    tpu.vector_store %arg4[%swap3A_65], %swap3A_68 {strides = array<i32>} : memref<128xi32, #tpu.memory_space<vmem>>, vector<16xi32>,
    %iota3A_69 = tpu.iota {dimensions = array<i32: 0>} : vector<16xi32>
    %add3A_70 = arith.constant 48 : i32
    %add3A_71 = arith.addi %mul3A_2, %add3A_70 : i32
    %jit3A_72 = arith.constant 64 : i32
    %eq3A_73 = arith.constant 0 : i32
    %eq3A_74 = arith.cmpi eq, %jit3A_72, %eq3A_73 : i32
    %jit3A_75 = arith.constant 1 : i32
    %select_n3A_76 = arith.select %eq3A_74, %jit3A_75, %jit3A_72 : i32
    %rem3A_77 = arith.remsi %add3A_71, %select_n3A_76 : i32
    %ne3A_78 = arith.constant 0 : i32
    %ne3A_79 = arith.cmpi ne, %rem3A_77, %ne3A_78 : i32
    %lt3A_80 = arith.constant 0 : i32
    %lt3A_81 = arith.cmpi slt, %rem3A_77, %lt3A_80 : i32
    %lt3A_82 = arith.constant 0 : i32
    %lt3A_83 = arith.cmpi slt, %select_n3A_76, %lt3A_82 : i32
    %ne3A_84 = arith.xori %lt3A_81, %lt3A_83 : i1
    %and3A_85 = arith.andi %ne3A_84, %ne3A_79 : i1
    %add3A_86 = arith.addi %rem3A_77, %select_n3A_76 : i32
    %select_n3A_87 = arith.select %and3A_85, %add3A_86, %rem3A_77 : i32
    %add3A_88 = vector.broadcast %select_n3A_87 : i32 to vector<16xi32>
    %add3A_89 = arith.addi %iota3A_69, %add3A_88 : vector<16xi32>
    %swap3A_90 = arith.constant 48 : index
    %swap3A_91 = tpu.vector_load %arg4[%swap3A_90] {strides = array<i32>} : memref<128xi32, #tpu.memory_space<vmem>>, vector<16xi32>,
    %swap3A_92 = vector.shape_cast %swap3A_91 : vector<16xi32> to vector<16xi32>
    %swap3A_93 = vector.shape_cast %add3A_89 : vector<16xi32> to vector<16xi32>
    tpu.vector_store %arg4[%swap3A_90], %swap3A_93 {strides = array<i32>} : memref<128xi32, #tpu.memory_space<vmem>>, vector<16xi32>,
    %iota3A_94 = tpu.iota {dimensions = array<i32: 0>} : vector<16xi32>
    %add3A_95 = arith.constant 64 : i32
    %add3A_96 = arith.addi %mul3A_2, %add3A_95 : i32
    %jit3A_97 = arith.constant 64 : i32
    %eq3A_98 = arith.constant 0 : i32
    %eq3A_99 = arith.cmpi eq, %jit3A_97, %eq3A_98 : i32
    %jit3A_100 = arith.constant 1 : i32
    %select_n3A_101 = arith.select %eq3A_99, %jit3A_100, %jit3A_97 : i32
    %rem3A_102 = arith.remsi %add3A_96, %select_n3A_101 : i32
    %ne3A_103 = arith.constant 0 : i32
    %ne3A_104 = arith.cmpi ne, %rem3A_102, %ne3A_103 : i32
    %lt3A_105 = arith.constant 0 : i32
    %lt3A_106 = arith.cmpi slt, %rem3A_102, %lt3A_105 : i32
    %lt3A_107 = arith.constant 0 : i32
    %lt3A_108 = arith.cmpi slt, %select_n3A_101, %lt3A_107 : i32
    %ne3A_109 = arith.xori %lt3A_106, %lt3A_108 : i1
    %and3A_110 = arith.andi %ne3A_109, %ne3A_104 : i1
    %add3A_111 = arith.addi %rem3A_102, %select_n3A_101 : i32
    %select_n3A_112 = arith.select %and3A_110, %add3A_111, %rem3A_102 : i32
    %add3A_113 = vector.broadcast %select_n3A_112 : i32 to vector<16xi32>
    %add3A_114 = arith.addi %iota3A_94, %add3A_113 : vector<16xi32>
    %swap3A_115 = arith.constant 64 : index
    %swap3A_116 = tpu.vector_load %arg4[%swap3A_115] {strides = array<i32>} : memref<128xi32, #tpu.memory_space<vmem>>, vector<16xi32>,
    %swap3A_117 = vector.shape_cast %swap3A_116 : vector<16xi32> to vector<16xi32>
    %swap3A_118 = vector.shape_cast %add3A_114 : vector<16xi32> to vector<16xi32>
    tpu.vector_store %arg4[%swap3A_115], %swap3A_118 {strides = array<i32>} : memref<128xi32, #tpu.memory_space<vmem>>, vector<16xi32>,
    %iota3A_119 = tpu.iota {dimensions = array<i32: 0>} : vector<16xi32>
    %add3A_120 = arith.constant 80 : i32
    %add3A_121 = arith.addi %mul3A_2, %add3A_120 : i32
    %jit3A_122 = arith.constant 64 : i32
    %eq3A_123 = arith.constant 0 : i32
    %eq3A_124 = arith.cmpi eq, %jit3A_122, %eq3A_123 : i32
    %jit3A_125 = arith.constant 1 : i32
    %select_n3A_126 = arith.select %eq3A_124, %jit3A_125, %jit3A_122 : i32
    %rem3A_127 = arith.remsi %add3A_121, %select_n3A_126 : i32
    %ne3A_128 = arith.constant 0 : i32
    %ne3A_129 = arith.cmpi ne, %rem3A_127, %ne3A_128 : i32
    %lt3A_130 = arith.constant 0 : i32
    %lt3A_131 = arith.cmpi slt, %rem3A_127, %lt3A_130 : i32
    %lt3A_132 = arith.constant 0 : i32
    %lt3A_133 = arith.cmpi slt, %select_n3A_126, %lt3A_132 : i32
    %ne3A_134 = arith.xori %lt3A_131, %lt3A_133 : i1
    %and3A_135 = arith.andi %ne3A_134, %ne3A_129 : i1
    %add3A_136 = arith.addi %rem3A_127, %select_n3A_126 : i32
    %select_n3A_137 = arith.select %and3A_135, %add3A_136, %rem3A_127 : i32
    %add3A_138 = vector.broadcast %select_n3A_137 : i32 to vector<16xi32>
    %add3A_139 = arith.addi %iota3A_119, %add3A_138 : vector<16xi32>
    %swap3A_140 = arith.constant 80 : index
    %swap3A_141 = tpu.vector_load %arg4[%swap3A_140] {strides = array<i32>} : memref<128xi32, #tpu.memory_space<vmem>>, vector<16xi32>,
    %swap3A_142 = vector.shape_cast %swap3A_141 : vector<16xi32> to vector<16xi32>
    %swap3A_143 = vector.shape_cast %add3A_139 : vector<16xi32> to vector<16xi32>
    tpu.vector_store %arg4[%swap3A_140], %swap3A_143 {strides = array<i32>} : memref<128xi32, #tpu.memory_space<vmem>>, vector<16xi32>,
    %iota3A_144 = tpu.iota {dimensions = array<i32: 0>} : vector<16xi32>
    %add3A_145 = arith.constant 96 : i32
    %add3A_146 = arith.addi %mul3A_2, %add3A_145 : i32
    %jit3A_147 = arith.constant 64 : i32
    %eq3A_148 = arith.constant 0 : i32
    %eq3A_149 = arith.cmpi eq, %jit3A_147, %eq3A_148 : i32
    %jit3A_150 = arith.constant 1 : i32
    %select_n3A_151 = arith.select %eq3A_149, %jit3A_150, %jit3A_147 : i32
    %rem3A_152 = arith.remsi %add3A_146, %select_n3A_151 : i32
    %ne3A_153 = arith.constant 0 : i32
    %ne3A_154 = arith.cmpi ne, %rem3A_152, %ne3A_153 : i32
    %lt3A_155 = arith.constant 0 : i32
    %lt3A_156 = arith.cmpi slt, %rem3A_152, %lt3A_155 : i32
    %lt3A_157 = arith.constant 0 : i32
    %lt3A_158 = arith.cmpi slt, %select_n3A_151, %lt3A_157 : i32
    %ne3A_159 = arith.xori %lt3A_156, %lt3A_158 : i1
    %and3A_160 = arith.andi %ne3A_159, %ne3A_154 : i1
    %add3A_161 = arith.addi %rem3A_152, %select_n3A_151 : i32
    %select_n3A_162 = arith.select %and3A_160, %add3A_161, %rem3A_152 : i32
    %add3A_163 = vector.broadcast %select_n3A_162 : i32 to vector<16xi32>
    %add3A_164 = arith.addi %iota3A_144, %add3A_163 : vector<16xi32>
    %swap3A_165 = arith.constant 96 : index
    %swap3A_166 = tpu.vector_load %arg4[%swap3A_165] {strides = array<i32>} : memref<128xi32, #tpu.memory_space<vmem>>, vector<16xi32>,
    %swap3A_167 = vector.shape_cast %swap3A_166 : vector<16xi32> to vector<16xi32>
    %swap3A_168 = vector.shape_cast %add3A_164 : vector<16xi32> to vector<16xi32>
    tpu.vector_store %arg4[%swap3A_165], %swap3A_168 {strides = array<i32>} : memref<128xi32, #tpu.memory_space<vmem>>, vector<16xi32>,
    %iota3A_169 = tpu.iota {dimensions = array<i32: 0>} : vector<16xi32>
    %add3A_170 = arith.constant 112 : i32
    %add3A_171 = arith.addi %mul3A_2, %add3A_170 : i32
    %jit3A_172 = arith.constant 64 : i32
    %eq3A_173 = arith.constant 0 : i32
    %eq3A_174 = arith.cmpi eq, %jit3A_172, %eq3A_173 : i32
    %jit3A_175 = arith.constant 1 : i32
    %select_n3A_176 = arith.select %eq3A_174, %jit3A_175, %jit3A_172 : i32
    %rem3A_177 = arith.remsi %add3A_171, %select_n3A_176 : i32
    %ne3A_178 = arith.constant 0 : i32
    %ne3A_179 = arith.cmpi ne, %rem3A_177, %ne3A_178 : i32
    %lt3A_180 = arith.constant 0 : i32
    %lt3A_181 = arith.cmpi slt, %rem3A_177, %lt3A_180 : i32
    %lt3A_182 = arith.constant 0 : i32
    %lt3A_183 = arith.cmpi slt, %select_n3A_176, %lt3A_182 : i32
    %ne3A_184 = arith.xori %lt3A_181, %lt3A_183 : i1
    %and3A_185 = arith.andi %ne3A_184, %ne3A_179 : i1
    %add3A_186 = arith.addi %rem3A_177, %select_n3A_176 : i32
    %select_n3A_187 = arith.select %and3A_185, %add3A_186, %rem3A_177 : i32
    %add3A_188 = vector.broadcast %select_n3A_187 : i32 to vector<16xi32>
    %add3A_189 = arith.addi %iota3A_169, %add3A_188 : vector<16xi32>
    %swap3A_190 = arith.constant 112 : index
    %swap3A_191 = tpu.vector_load %arg4[%swap3A_190] {strides = array<i32>} : memref<128xi32, #tpu.memory_space<vmem>>, vector<16xi32>,
    %swap3A_192 = vector.shape_cast %swap3A_191 : vector<16xi32> to vector<16xi32>
    %swap3A_193 = vector.shape_cast %add3A_189 : vector<16xi32> to vector<16xi32>
    tpu.vector_store %arg4[%swap3A_190], %swap3A_193 {strides = array<i32>} : memref<128xi32, #tpu.memory_space<vmem>>, vector<16xi32>,
    %dma_start3A = arith.constant 0 : i32
    %dma_start3A_194 = arith.constant 0 : i32
    %dma_start3A_195 = tpu.memref_slice %arg2[%dma_start3A, %dma_start3A_194] : memref<128x128xf32, #tpu.memory_space<hbm>> -> memref<128x128xf32, #tpu.memory_space<hbm>>
    tpu.enqueue_indirect_dma source(%dma_start3A_195 : memref<128x128xf32, #tpu.memory_space<hbm>>) target(%arg5 : memref<128x128xf32, #tpu.memory_space<vmem>>) offsets(%arg4 : memref<128xi32, #tpu.memory_space<vmem>>) semaphore(%arg6 : memref<!tpu.dma_semaphore, #tpu.memory_space<semaphore_mem>>)
    %dma_wait3A = arith.constant 0 : i32
    %dma_wait3A_196 = arith.constant 0 : i32
    %dma_wait3A_197 = tpu.memref_slice %arg2[%dma_wait3A, %dma_wait3A_196] : memref<128x128xf32, #tpu.memory_space<hbm>> -> memref<128x128xf32, #tpu.memory_space<hbm>>
    tpu.wait_indirect_dma semaphore(%arg6 : memref<!tpu.dma_semaphore, #tpu.memory_space<semaphore_mem>>) src(%dma_wait3A_197 : memref<128x128xf32, #tpu.memory_space<hbm>>) dst(%arg5 : memref<128x128xf32, #tpu.memory_space<vmem>>)
    "tpu.region"() ({
      %run_scoped3A = tpu.sem_alloc : memref<!tpu.dma_semaphore, #tpu.memory_space<semaphore_mem>>
      %dma_start3A_198 = arith.constant 0 : i32
      %dma_start3A_199 = tpu.memref_slice %arg3[%mul3A_2, %dma_start3A_198] : memref<4096x128xf32, #tpu.memory_space<hbm>> -> memref<128x128xf32, #tpu.memory_space<hbm>>
      %dma_start3A_200 = arith.constant 0 : i32
      %dma_start3A_201 = tpu.memref_slice %arg3[%mul3A_2, %dma_start3A_200] : memref<4096x128xf32, #tpu.memory_space<hbm>> -> memref<128x128xf32, #tpu.memory_space<hbm>>
      tpu.enqueue_dma source(%arg5 : memref<128x128xf32, #tpu.memory_space<vmem>>) target(%dma_start3A_201 : memref<128x128xf32, #tpu.memory_space<hbm>>) target_semaphore(%run_scoped3A : memref<!tpu.dma_semaphore, #tpu.memory_space<semaphore_mem>>)
      %dma_wait3A_202 = arith.constant 0 : i32
      %dma_wait3A_203 = tpu.memref_slice %arg3[%mul3A_2, %dma_wait3A_202] : memref<4096x128xf32, #tpu.memory_space<hbm>> -> memref<128x128xf32, #tpu.memory_space<hbm>>
      %dma_wait3A_204 = arith.constant 0 : i32
      %dma_wait3A_205 = tpu.memref_slice %arg3[%mul3A_2, %dma_wait3A_204] : memref<4096x128xf32, #tpu.memory_space<hbm>> -> memref<128x128xf32, #tpu.memory_space<hbm>>
      tpu.wait_dma2 semaphore(%run_scoped3A : memref<!tpu.dma_semaphore, #tpu.memory_space<semaphore_mem>>) src(%arg5 : memref<128x128xf32, #tpu.memory_space<vmem>>) dst(%dma_wait3A_205 : memref<128x128xf32, #tpu.memory_space<hbm>>)
      tpu.yield
    }) : () -> ()
    return
  }
}

module attributes {stable_mosaic.version = 14 : i64} {
  func.func @_add_body(%arg0: i32, %arg1: memref<256x64x128xf32, #tpu.memory_space<vmem>>, %arg2: memref<256x128xf32, #tpu.memory_space<vmem>>, %arg3: memref<256x64x128xf32, #tpu.memory_space<vmem>>) attributes {dimension_semantics = [#tpu.dimension_semantics<arbitrary>], iteration_bounds = array<i64: 32>, scalar_prefetch = 0 : i64, scratch_operands = 0 : i64, tpu.core_type = #tpu.core_type<tc>, window_params = [{transform_indices = @transform_0, window_bounds = array<i64: 256, 64, 128>}, {transform_indices = @transform_1, window_bounds = array<i64: 256, 128>}, {transform_indices = @transform_2, window_bounds = array<i64: 256, 64, 128>}]} {
    %get3A = arith.constant 0 : index
    %get3A_0 = arith.constant 0 : index
    %get3A_1 = arith.constant 0 : index
    %get3A_2 = vector.load %arg1[%get3A, %get3A_0, %get3A_1] : memref<256x64x128xf32, #tpu.memory_space<vmem>>, vector<256x64x128xf32>
    %get3A_3 = arith.constant 0 : index
    %get3A_4 = arith.constant 0 : index
    %get3A_5 = vector.load %arg2[%get3A_3, %get3A_4] : memref<256x128xf32, #tpu.memory_space<vmem>>, vector<256x128xf32>
    %broadcast_in_dim3A = vector.shape_cast %get3A_5 : vector<256x128xf32> to vector<256x1x128xf32>
    %add3A = vector.broadcast %broadcast_in_dim3A : vector<256x1x128xf32> to vector<256x64x128xf32>
    %add3A_6 = arith.addf %get3A_2, %add3A : vector<256x64x128xf32>
    %swap3A = arith.constant 0 : index
    %swap3A_7 = arith.constant 0 : index
    %swap3A_8 = arith.constant 0 : index
    %swap3A_9 = vector.load %arg3[%swap3A, %swap3A_7, %swap3A_8] : memref<256x64x128xf32, #tpu.memory_space<vmem>>, vector<256x64x128xf32>
    tpu.vector_store %arg3[%swap3A, %swap3A_7, %swap3A_8], %add3A_6 {strides = array<i32>} : memref<256x64x128xf32, #tpu.memory_space<vmem>>, vector<256x64x128xf32>,
    return
  }
  func.func @transform_0(%arg0: i32) -> (i32, i32, i32) {
    %c0_i32 = arith.constant 0 : i32
    %c0_i32_0 = arith.constant 0 : i32
    %c0_i32_1 = arith.constant 0 : i32
    return %arg0, %c0_i32, %c0_i32_0 : i32, i32, i32
  }
  func.func @transform_1(%arg0: i32) -> (i32, i32) {
    %jit3A = arith.constant 4 : i32
    %eq3A = arith.constant 0 : i32
    %eq3A_0 = arith.cmpi eq, %jit3A, %eq3A : i32
    %jit3A_1 = arith.constant 1 : i32
    %select_n3A = arith.select %eq3A_0, %jit3A_1, %jit3A : i32
    %rem3A = arith.remsi %arg0, %select_n3A : i32
    %ne3A = arith.constant 0 : i32
    %ne3A_2 = arith.cmpi ne, %rem3A, %ne3A : i32
    %lt3A = arith.constant 0 : i32
    %lt3A_3 = arith.cmpi slt, %rem3A, %lt3A : i32
    %lt3A_4 = arith.constant 0 : i32
    %lt3A_5 = arith.cmpi slt, %select_n3A, %lt3A_4 : i32
    %ne3A_6 = arith.xori %lt3A_3, %lt3A_5 : i1
    %and3A = arith.andi %ne3A_6, %ne3A_2 : i1
    %add3A = arith.addi %rem3A, %select_n3A : i32
    %select_n3A_7 = arith.select %and3A, %add3A, %rem3A : i32
    %c0_i32 = arith.constant 0 : i32
    %c0_i32_8 = arith.constant 0 : i32
    return %select_n3A_7, %c0_i32 : i32, i32
  }
  func.func @transform_2(%arg0: i32) -> (i32, i32, i32) {
    %c0_i32 = arith.constant 0 : i32
    %c0_i32_0 = arith.constant 0 : i32
    %c0_i32_1 = arith.constant 0 : i32
    return %arg0, %c0_i32, %c0_i32_0 : i32, i32, i32
  }
}

</mosaic_0001>

<sc_bundles>
// kernel: kernel.4.cloned.1.call-start
scs
__scs_entry_jumppad:
0x0: {  	(pc) =	sbr.rel $0x88, $3  }
0x1: {  	(tag) =	ssettag $0x0;
	lr =	simm.s32 $0x1  }
0x2: {  	[smem:$0x3F9E] =	sst lr;
	_ =	strace $0xD0000000  }
0x3: {  	_ = 	snop  }
0x4: {  	_ = 	snop  }
0x5: {  	_ = 	snop  }
0x6: {  	_ = 	snop  }
0x7: {  	_ = 	snop  }
__scs_overlays_trampoline_lowered:
0x8: {  	[smem:$0x3FAD] =	sst s0  }
0x9: {  	[smem:$0x3FAE] =	sst s1  }
0xa: {  	[smem:$0x3FAF] =	sst s2  }
0xb: {  	[smem:$0x3FB0] =	sst s3  }
0xc: {  	[smem:$0x3FB1] =	sst s4  }
0xd: {  	[smem:$0x3FB2] =	sst s5  }
0xe: {  	[smem:$0x3FB3] =	sst s6  }
0xf: {  	[smem:$0x3FB4] =	sst s7  }
0x10: {  	[smem:$0x3FB5] =	sst s8  }
0x11: {  	[smem:$0x3FB6] =	sst s9;
	s0 =	simm.s32 @!p0 $0x0  }
0x12: {  	s1 =	sld [smem:$0x3F9C];
	s0 =	simm.s32 @p0 $0x1  }
0x13: {  	[smem:$0x3FB7] =	sst s0;
	s0 =	simm.s32 @!p1 $0x0  }
0x14: {  	s2 =	sld [smem:$0x3F9B];
	s0 =	simm.s32 @p1 $0x1  }
0x15: {  	[smem:$0x3FB8] =	sst s0;
	s0 =	simm.s32 @!p2 $0x0  }
0x16: {  	s3 =	sld [smem:$0x3FDB];
	s0 =	simm.s32 @p2 $0x1  }
0x17: {  	s4 =	simm.s32 $0x1BF5;
	[smem:$0x3FBA] =	sst s0  }
0x18: {  	s0 =	sld [smem:$0x3F9D];
	_ =	swait.ge [sflag:s4], $0x0  }
0x19: {  	s7 =	sld [smem:$0x3F9E]  }
0x1a: {  	s8 =	sadd.s32 $0xFFFFE003, lr  }
0x1b: {  	s9 =	sadd.s32 $0xFFFFFEF7, lr;
	s5 =	simm.s32 $0xFFFFFFFF;
	p2 =	slt.u32 s8, $0xFFFFF086  }
0x1c: {  	p1 =	slt.u32 s9, $0xF7A;
	s5 =	simm.s32 @!p2 $0x0  }
0x1d: {  	s5 =	simm.s32 @p1 $0x1;
	p0 =	seq.s32 s7, s2  }
0x1e: {  	s7 =	smul.u32 @!p0 $0xF7A, s2;
	p2 =	seq.s32 @!p0 s5, $0x0  }
0x1f: {  	s9 =	smul.u32 $0xF7A, s1;
	s8 =	simm.s32 @!p0 $0x1BF5;
	p2 =	por !p2, p0  }
0x20: {  	[sflag:s8] =	ssyncset.s32 @!p0 $0xFFFFF086;
	s6 =	sadd.s32 @!p0 s3, s7;
	s7 =	simm.s32 @!p0 $0x108  }
0x21: {  	s3 =	sadd.s32 s3, s9;
	s6 =	sadd.s32 @!p0 $0x88, s6;
	s7 =	simm.s32 @p2 $0x1082  }
0x22: {  	[simem:s7], [sflag:s8] =	dma.local @!p0 [hbm:s6], $0xF7A  }
0x23: {  	s9 =	sor.u32 $0xD0000000, s2;
	s6 =	simm.s32 $0x108;
	_ =	swait.ge @!p0 [sflag:s8], $0x0  }
0x24: {  	s3 =	sadd.s32 $0x88, s3;
	s6 =	simm.s32 @!p1 $0x1082;
	[sflag:s4] =	ssyncset.s32 $0xFFFFF086  }
0x25: {  	[simem:s6], [sflag:s4] =	dma.local [hbm:s3], $0xF7A  }
0x26: {  	[smem:$0x3F9E] =	sst s1;
	(tag) =	ssettag s2;
	_ =	strace s9  }
0x27: {  	s1 =	sld [smem:$0x3FAE]  }
0x28: {  	s2 =	sld [smem:$0x3FAF]  }
0x29: {  	s4 =	sld [smem:$0x3FB1]  }
0x2a: {  	p0 =	seq.s32 s5, $0x0;
	s5 =	sld [smem:$0x3FB2]  }
0x2b: {  	s6 =	sld [smem:$0x3FB3]  }
0x2c: {  	s7 =	sld [smem:$0x3FB4]  }
0x2d: {  	s3 =	simm.s32 $0x108;
	s8 =	sld [smem:$0x3FB5]  }
0x2e: {  	s3 =	simm.s32 @!p0 $0x1082;
	s9 =	sld [smem:$0x3FB6]  }
0x2f: {  	lr =	sadd.s32 s0, s3;
	s0 =	sld [smem:$0x3FAD]  }
0x30: {  	s3 =	sld [smem:$0x3FB0]  }
0x31: {  	[smem:$0x3FB9] =	sst s10  }
0x32: {  	s10 =	sld [smem:$0x3FB7];
	_ =	sdelay $0x3  }
0x33: {  	p0 =	seq.s32 s10, $0x1;
	s10 =	sld [smem:$0x3FB9];
	_ =	sdelay $0x3  }
0x34: {  	[smem:$0x3FB9] =	sst s10  }
0x35: {  	s10 =	sld [smem:$0x3FB8];
	_ =	sdelay $0x3  }
0x36: {  	p1 =	seq.s32 s10, $0x1;
	s10 =	sld [smem:$0x3FB9];
	_ =	sdelay $0x3  }
0x37: {  	[smem:$0x3FB9] =	sst s10  }
0x38: {  	s10 =	sld [smem:$0x3FBA]  }
0x39: {  	_ = 	snop;
	(pc) =	sbr.ind lr, $3  }
0x3a: {  	_ = 	snop  }
0x3b: {  	_ = 	snop  }
0x3c: {  	p2 =	seq.s32 s10, $0x1;
	s10 =	sld [smem:$0x3FB9]  }
0x3d: {  	_ =	shalt  }
0x3e: {  	_ =	shalt  }
0x3f: {  	_ =	shalt  }
0x40: {  	_ =	shalt  }
0x41: {  	_ =	shalt  }
0x42: {  	_ =	shalt  }
0x43: {  	_ =	shalt  }
0x44: {  	_ =	shalt  }
0x45: {  	_ =	shalt  }
0x46: {  	_ =	shalt  }
0x47: {  	_ =	shalt  }
0x48: {  	_ =	shalt  }
0x49: {  	_ =	shalt  }
0x4a: {  	_ =	shalt  }
0x4b: {  	_ =	shalt  }
0x4c: {  	_ =	shalt  }
0x4d: {  	_ =	shalt  }
0x4e: {  	_ =	shalt  }
0x4f: {  	_ =	shalt  }
0x50: {  	_ =	shalt  }
0x51: {  	_ =	shalt  }
0x52: {  	_ =	shalt  }
0x53: {  	_ =	shalt  }
0x54: {  	_ =	shalt  }
0x55: {  	_ =	shalt  }
0x56: {  	_ =	shalt  }
0x57: {  	_ =	shalt  }
0x58: {  	_ =	shalt  }
0x59: {  	_ =	shalt  }
0x5a: {  	_ =	shalt  }
0x5b: {  	_ =	shalt  }
0x5c: {  	_ =	shalt  }
0x5d: {  	_ =	shalt  }
0x5e: {  	_ =	shalt  }
0x5f: {  	_ =	shalt  }
0x60: {  	_ =	shalt  }
0x61: {  	_ =	shalt  }
0x62: {  	_ =	shalt  }
0x63: {  	_ =	shalt  }
0x64: {  	_ =	shalt  }
0x65: {  	_ =	shalt  }
0x66: {  	_ =	shalt  }
0x67: {  	_ =	shalt  }
0x68: {  	_ =	shalt  }
0x69: {  	_ =	shalt  }
0x6a: {  	_ =	shalt  }
0x6b: {  	_ =	shalt  }
0x6c: {  	_ =	shalt  }
0x6d: {  	_ =	shalt  }
0x6e: {  	_ =	shalt  }
0x6f: {  	_ =	shalt  }
0x70: {  	_ =	shalt  }
0x71: {  	_ =	shalt  }
0x72: {  	_ =	shalt  }
0x73: {  	_ =	shalt  }
0x74: {  	_ =	shalt  }
0x75: {  	_ =	shalt  }
0x76: {  	_ =	shalt  }
0x77: {  	_ =	shalt  }
0x78: {  	_ =	shalt  }
0x79: {  	_ =	shalt  }
0x7a: {  	_ =	shalt  }
0x7b: {  	_ =	shalt  }
0x7c: {  	_ =	shalt  }
0x7d: {  	_ =	shalt  }
0x7e: {  	_ =	shalt  }
0x7f: {  	_ =	shalt  }
0x80: {  	_ =	shalt  }
0x81: {  	_ =	shalt  }
0x82: {  	_ =	shalt  }
0x83: {  	_ =	shalt  }
0x84: {  	_ =	shalt  }
0x85: {  	_ =	shalt  }
0x86: {  	_ =	shalt  }
0x87: {  	_ =	shalt  }
.Lfunc_end0:
.L_simem_size_0:
called_computation_lowered:
.L_overlay_start_0:
0x88: {  	s2 =	sld [smem:$0x3FD9]  }
0x89: {  	s3 =	sld [smem:$0x3FFE];
	_ =	sdelay $0x1  }
0x8a: {  	s1 =	srdreg.scid  }
0x8b: {  	s0 =	sand.u32 $0x1, s1  }
0x8c: {  	s15 =	sshll.u32 s0, $0xA;
	s2 =	sadd.s32 s3, s2  }
0x8d: {  	s2 =	sadd.s32 s2, s15  }
0x8e: {  	[smem:$0x3FC5] =	sst s2  }
0x8f: {  	_ = 	snop  }
0x90: {  	s2 =	sld [smem:$0x3FD0];
	_ =	sdelay $0x2  }
0x91: {  	s4 =	simm.s32 $0xA;
	s5 =	simm.s32 $0x10;
	s16 =	sld [smem:$0x3FC7]  }
0x92: {  	[smem:s5], [sflag:s4] =	dma.local [hbm:s2], $0x1  }
0x93: {  	_ =	swait.eq [sflag:s4], $0x1  }
0x94: {  	[sflag:s4] =	ssyncset.done $0x0  }
0x95: {  	[sflag:s4] =	ssyncadd.s32 $0xFFFFFFFF  }
0x96: {  	s17 =	sld [smem:$0x11];
	(tm) =	ssettm $0x1  }
0x97: {  	s18 =	sld [smem:$0x3FFB];
	_ =	sdelay $0x3  }
0x98: {  	_ =	strace s18  }
0x99: {  	s4 =	sld [smem:$0x3FFC];
	_ =	sdelay $0x3  }
0x9a: {  	_ =	strace s4  }
0x9b: {  	s4 =	sld [smem:$0x3FFD];
	_ =	sdelay $0x3  }
0x9c: {  	_ =	strace s4  }
0x9d: {  	_ =	strace $0x8FFFFFFF  }
0x9e: {  	s19 =	sld [smem:$0x3FDB];
	_ =	sdelay $0x1  }
0x9f: {  	s20 =	simm.s32 $_scs_section_size  }
0xa0: {  	s6 =	simm.s32 $_size__tile_overlayer_lowered;
	s7 =	simm.s32 $_tile_overlayer_lowered  }
0xa1: {  	s23 =	simm.s32 $0x1BFF;
	s22 =	sshll.u32 s7, $0x1;
	s4 =	sadd.s32 s20, s19  }
0xa2: {  	s8 =	simm.s32 $0x0;
	s21 =	sshll.u32 s6, $0x1;
	s6 =	sadd.s32 s22, s4  }
0xa3: {  	[timem:s8], [sflag:s23] =	dma.local [hbm:s6], s21  }
0xa4: {  	_ =	swait.ge [sflag:s23], s21  }
0xa5: {  	s5 =	ssub.s32 $0x0, s21;
	[sflag:s23] =	ssyncset.done $0x0  }
0xa6: {  	[sflag:s23] =	ssyncadd.s32 s5;
	_ =	sdelay $0x1  }
0xa7: {  	s24 =	simm.s32 $0x1B8B  }
0xa8: {  	_ =	swait.ge [sflag:s24], $0x1  }
0xa9: {  	[sflag:s24] =	ssyncset.done $0x0  }
0xaa: {  	s25 =	simm.s32 $0x1B8E;
	[sflag:s24] =	ssyncadd.s32 $0xFFFFFFFF  }
0xab: {  	s26 =	simm.s32 $execute0_lowered;
	[smem:$0x3FD2] =	sst s25  }
0xac: {  	s5 =	sshll.u32 s26, $0x1;
	_ =	strace $0x80000046;
	[dreg:$0x1] =	wrdreg $0xFFFFFFFF  }
0xad: {  	s28 =	simm.s32 $_size_execute0_lowered;
	s4 =	sadd.s32 s4, s5;
	[dreg:$0x0] =	wrdreg $0x0  }
0xae: {  	s5 =	sshll.u32 s28, $0x1;
	[dreg:$0x2] =	wrdreg s4  }
0xaf: {  	[dreg:$0x3] =	wrdreg s5  }
0xb0: {  	[dreg:$0x4] =	wrdreg $0xC0  }
0xb1: {  	_ =	task [dreg:s8], $0x5FFFF  }
0xb2: {  	[dreg:$0x1] =	wrdreg $0xFFFFFFFF  }
0xb3: {  	[dreg:$0x0] =	wrdreg $0x60  }
0xb4: {  	[dreg:$0x2] =	wrdreg s16  }
0xb5: {  	[dreg:$0x3] =	wrdreg s17  }
0xb6: {  	[dreg:$0x4] =	wrdreg $0x9  }
0xb7: {  	_ =	task.clear_ibuf [dreg:s8], $0x5FFFF;
	_ =	strace $0x90000046  }
0xb8: {  	s29 =	simm.s32 $0x9;
	_ =	strace $0x80000048  }
0xb9: {  	_ =	swait.ge [sflag:s29], $0x1  }
0xba: {  	[sflag:s29] =	ssyncadd.s32 $0xFFFFFFFF  }
0xbb: {  	_ =	strace $0x90000048  }
0xbc: {  	_ =	sfence  }
0xbd: {  	s30 =	sld [smem:$0x0];
	_ =	sdelay $0x2  }
0xbe: {  	s31 =	sshll.u32 s1, $0xD;
	s1 =	sshrl.u32 s1, $0x2  }
0xbf: {  	s3 =	sand.u32 $0x4000, s31;
	s1 =	sadd.s32 s1, s30  }
0xc0: {  	s0 =	sor.u32 s3, s0;
	s1 =	sshll.u32 s1, $0x11  }
0xc1: {  	s0 =	sor.u32 s1, s0  }
0xc2: {  	s0 =	sadd.s32 $0x8F2B, s0  }
0xc3: {  	[sflag:s0] =	ssyncadd.remote.s32 $0x1  }
0xc4: {  	_ =	sfence.sel $0xFFFF  }
0xc5: {  	[dreg:$0x0] =	wrdreg $0xFFFFFFFF;
	(pc) =	sbr.abs _section_cstart, $3  }
0xc6: {  	[dreg:$0x1] =	wrdreg $0xFFFFFFFF  }
0xc7: {  	_ =	task.clear_ibuf [dreg:s8], $0x2FFFF;
	_ =	strace $0x9FFFFFFF  }
0xc8: {  	(tm) =	ssettm $0x7FFFFFFF  }
0xc9: {  	_ =	shalt  }
tec
execute0_lowered:
.L_overlay_start_1:
0x0: {  	(tag) =	ssettag $0x1  }
0x1: {  	s1 =	rddreg [dreg:$0x0]  }
0x2: {  	s6 =	rddreg [dreg:$0x1];
	s2 =	simm.s32 $0x0;
	v0 =	vlaneseq.u32  }
0x3: {  	[smem:$0x7FF] =	sst s2;
	v1 =	vor.u32 $0x20, v0  }
0x4: {  	s0 =	rddreg [dreg:$0x2];
	v2 =	vor.u32 $0x30, v0;
	_ =	strace $0x80000047;
	[tilespmem:$0x20] =	vst v1  }
0x5: {  	[tilespmem:$0x30] =	vst v2  }
0x6: {  	[tilespmem:$0x40] =	vst v0  }
0x7: {  	[tilespmem:$0x0] =	vst v0  }
0x8: {  	s3 =	srdreg.scid;
	[tilespmem:$0x70] =	vst v2  }
0x9: {  	s4 =	sand.u32 $0x1, s3;
	v3 =	vor.u32 $0x10, v0;
	[tilespmem:$0x60] =	vst v1  }
0xa: {  	s7 =	ssub.s32 $0x2, s4;
	[tilespmem:$0x50] =	vst v3  }
0xb: {  	s9 =	sshll.u32 s4, $0xB;
	s4 =	simm.s32 $0x80;
	[tilespmem:$0x10] =	vst v3;
	s8 =	sshrl.u32 s7, $0x1  }
0xc: {  	[tilespmem:s4], [sflag:$0x1] =	stream.indirect.gather [hbm4b:s1+s4], $0x80, s2, s4, $0xb8;
	[tilespmem:$0x4080] =	vst v63  }
0xd: {  	s7 =	ssub.s32 s7, s8  }
0xe: {  	s5 =	simm.s32 $0x1;
	s3 =	stileid.u32;
	s8 =	smax.u32 s7, $0x1  }
0xf: {  	s31 =	sshll.u32 s3, $0xC;
	_ =	swait.ge [sflag:s5], $0x4000;
	p0 =	sne.s32 s8, $0x1  }
.Ltmp0:
0x10: {  	s6 =	sadd.s32 s6, s9;
	[sflag:s5] =	ssyncset.done $0x0;
	(pc) =	sbr.rel @!p0 .LBB2_2-.Ltmp0, $4  }
0x11: {  	s6 =	sadd.s32 s31, s6;
	s7 =	simm.s32 $0x2;
	[sflag:s5] =	ssyncadd.s32 $0xFFFFC000  }
0x12: {  	[hbm4b:s6+s2] =	stream.linear.scatter [tilespmem:s4], [sflag:$0x2], $0x4000, $0x38;
	[tilespmem:$0x4080] =	vst v63  }
0x13: {  	_ =	swait.ge [sflag:s7], $0x4000  }
0x14: {  	s8 =	sadd.s32 $0xFFFFFFFF, s8;
	[sflag:s7] =	ssyncset.done $0x0  }
.LBB2_1:
0x15: {  	p0 =	sne.s32 s8, $0x1;
	s8 =	sadd.s32 $0xFFFFFFFF, s8;
	[sflag:s7] =	ssyncadd.s32 $0xFFFFC000  }
0x16: {  	[tilespmem:$0x20] =	vst v1  }
0x17: {  	[tilespmem:$0x30] =	vst v2  }
0x18: {  	[tilespmem:$0x40] =	vst v0  }
0x19: {  	[tilespmem:$0x0] =	vst v0  }
0x1a: {  	[tilespmem:$0x70] =	vst v2  }
0x1b: {  	[tilespmem:$0x60] =	vst v1  }
0x1c: {  	[tilespmem:$0x50] =	vst v3  }
0x1d: {  	[tilespmem:$0x10] =	vst v3  }
0x1e: {  	[tilespmem:s4], [sflag:$0x1] =	stream.indirect.gather [hbm4b:s1+s4], $0x80, s2, s4, $0xb8;
	[tilespmem:$0x4080] =	vst v63  }
0x1f: {  	_ =	swait.ge [sflag:s5], $0x4000  }
.Ltmp1:
0x20: {  	[sflag:s5] =	ssyncset.done $0x0;
	(pc) =	sbr.rel @p0 .LBB2_1-.Ltmp1, $4  }
0x21: {  	[sflag:s5] =	ssyncadd.s32 $0xFFFFC000  }
0x22: {  	[hbm4b:s6+s2] =	stream.linear.scatter [tilespmem:s4], [sflag:$0x2], $0x4000, $0x38;
	[tilespmem:$0x4080] =	vst v63  }
0x23: {  	_ =	swait.ge [sflag:s7], $0x4000  }
0x24: {  	[sflag:s7] =	ssyncset.done $0x0  }
.LBB2_2:
0x25: {  	[sflag:s7] =	ssyncadd.s32 $0xFFFFC000  }
0x26: {  	_ =	sfence.sel $0x180000  }
0x27: {  	[bflag:$0x0] =	sbarrier.arrive $0xFFFF  }
0x28: {  	p0 =	sne.s32 s3, $0x0;
	_ =	strace $0x90000047  }
0x29: {  	s0 =	sadd.s32 @!p0 $0x100000, s0;
	[bflag:$0x2] =	sbarrier.arrive $0xFFFF  }
0x2a: {  	[sflag:s0] =	ssyncadd.tile.s32 @!p0 $0x1;
	_ =	shalt  }
.Lfunc_end2:
_tile_overlayer_lowered:
.L_overlay_start_2:
0x2b: {  	(tag) =	ssettag $0x2  }
0x2c: {  	s0 =	rddreg [dreg:$0x0];
	s2 =	stileid.u32  }
0x2d: {  	s1 =	rddreg [dreg:$0x1];
	p0 =	sne.s32 s2, $0x0  }
0x2e: {  	s3 =	rddreg [dreg:$0x2];
	[bflag:$0x3] =	sbarrier.arrive $0xFFFF;
	s2 =	simm.s32 @!p0 $0x1C02  }
0x2f: {  	[timem:s3], [sflag:s2] =	dma.local @!p0 [hbm:s0], s1  }
0x30: {  	s0 =	simm.s32 @!p0 $0x2  }
0x31: {  	_ =	swait.ge @!p0 [sflag:s0], s1  }
0x32: {  	s1 =	ssub.s32 @!p0 $0x0, s1;
	[sflag:s0] =	ssyncset.done @!p0 $0x0  }
0x33: {  	[sflag:s0] =	ssyncadd.s32 @!p0 s1  }
0x34: {  	[bflag:$0x3] =	sbarrier.arrive $0xFFFF  }
0x35: {  	_ =	shalt  }

</sc_bundles>
